<compile_context>
chip_gen: v7x
topology: tpu7x:2x2x1
jax: 0.10.2.dev20260603
libtpu: 0.0.44.dev20260713+nightly
codegen_flags: <defaults>
</compile_context>

<pallas_src>
import functools

import jax
import jax.numpy as jnp
from jax import lax
from jax.experimental import pallas as pl
from jax.experimental.pallas import tpu as pltpu
from jax.experimental.pallas import tpu_sc as plsc

ALPHA = 1.0
BETA = 3.0
MOMENTUM = 0.8

_IB = 2
_NW = 32
_L = 16


def _ce_kernel(x_ref, t_ref, ce_ref, acc_ref, *, nsteps, nimg):
    s = pl.program_id(0)

    @pl.when(s == 0)
    def _init():
        acc_ref[0] = 0.0

    for ii in range(nimg):
        x0 = x_ref[ii, 0]
        x1 = x_ref[ii, 1]
        x2 = x_ref[ii, 2]
        t = t_ref[ii]
        m = jnp.maximum(jnp.maximum(x0, x1), x2)
        lse = m + jnp.log(jnp.exp(x0 - m) + jnp.exp(x1 - m) + jnp.exp(x2 - m))
        sel = jnp.where(t == 1, x1, x0)
        nll = jnp.where(t == 2, 0.0, lse - sel)
        acc_ref[0] += jnp.sum(nll)

    @pl.when(s == nsteps - 1)
    def _finalize():
        ce_ref[0] = acc_ref[0]


def _sc_stats_kernel(t_hbm, u_hbm, out_hbm, tbuf, ubuf, res, *, chunk):
    wid = lax.axis_index("s") * 2 + lax.axis_index("c")
    base = wid * chunk
    pltpu.sync_copy(t_hbm.at[pl.ds(base, chunk)], tbuf)
    pltpu.sync_copy(u_hbm.at[pl.ds(base, chunk)], ubuf)

    def body(i, carry):
        cnt, sq = carry
        s0 = i * _L
        tv = tbuf[pl.ds(s0, _L)]
        uv = ubuf[pl.ds(s0, _L)]
        binv = jnp.where(tv == 2, 1.0, 0.0)
        d = uv - binv
        return cnt + binv, sq + d * d

    zero = jnp.zeros((_L,), jnp.float32)
    cnt, sq = lax.fori_loop(0, chunk // _L, body, (zero, zero), unroll=8)
    res[pl.ds(0, _L)] = cnt
    res[pl.ds(_L, _L)] = sq
    pltpu.sync_copy(res, out_hbm.at[wid])


def kernel(inputs, targets, unarys, frs, old_frs):
    b, c, h, w = inputs.shape
    hw = h * w
    chunk = b * hw // _NW

    sc_stats = functools.partial(
        pl.kernel,
        mesh=plsc.VectorSubcoreMesh(core_axis_name="c", subcore_axis_name="s"),
        out_type=jax.ShapeDtypeStruct((_NW, 2 * _L), jnp.float32),
        scratch_types=[
            pltpu.VMEM((chunk,), jnp.int32),
            pltpu.VMEM((chunk,), jnp.float32),
            pltpu.VMEM((2 * _L,), jnp.float32),
        ],
    )(functools.partial(_sc_stats_kernel, chunk=chunk))
    parts = sc_stats(targets.reshape(b * hw), unarys.reshape(b * hw))

    nsteps = b // _IB
    ce = pl.pallas_call(
        functools.partial(_ce_kernel, nsteps=nsteps, nimg=_IB),
        grid=(nsteps,),
        in_specs=[
            pl.BlockSpec((_IB, c, h, w), lambda s: (s, 0, 0, 0)),
            pl.BlockSpec((_IB, h, w), lambda s: (s, 0, 0)),
        ],
        out_specs=pl.BlockSpec(memory_space=pltpu.SMEM),
        out_shape=jax.ShapeDtypeStruct((1,), jnp.float32),
        scratch_shapes=[pltpu.SMEM((1,), jnp.float32)],
    )(inputs, targets)

    per_img = parts.reshape(b, _NW // b, 2, _L)
    nu = jnp.sum(per_img[:, :, 0, :], axis=(1, 2))[:, None]
    sq_sum = jnp.sum(per_img[:, :, 1, :])
    fr = frs * hw / (nu + 10.0)
    fr = jnp.minimum(MOMENTUM * fr + (1.0 - MOMENTUM) * old_frs, 1.0)
    loss_bg = ce[0] / (b * hw - jnp.sum(nu) + 1.0)
    loss = (loss_bg * 0.5 + ALPHA * sq_sum / (b * hw)
            + BETA * jnp.mean(fr))
    return loss, fr

# --- scband reference (transcript-rebuilt; emitter-appended) ---
"""Pipeline reference for scband-frseg-loss-32031866094282 (READ-ONLY COPY).

The authoritative reference and input builder live on the scoring server;
editing this copy changes nothing except your own understanding.
"""

import jax, jax.numpy as jnp
import numpy as np

NUM_CLASSES = 3
ALPHA = 1.0
BETA = 3.0
MOMENTUM = 0.8


def _ce_sum(logits, tgt):
    # CrossEntropyLoss(ignore_index=-1, reduction='sum'); logits [N, C], tgt [N]
    valid = tgt != -1
    t = jnp.where(valid, tgt, 0)
    logp = jax.nn.log_softmax(logits, axis=-1)
    nll = -jnp.take_along_axis(logp, t[:, None], axis=1)[:, 0]
    return jnp.sum(jnp.where(valid, nll, 0.0))


def setup_inputs(seed: int = 0) -> dict:
    key = jax.random.key(seed)
    k1, k2, k3, k4, k5 = jax.random.split(key, 5)
    b, c, h, w = 4, 3, 512, 512
    inputs = jax.random.normal(k1, (b, c, h, w), dtype=jnp.float32)
    targets = jax.random.randint(k2, (b, h, w), 0, 3).astype(jnp.int32)
    unarys = jax.random.uniform(k3, (b, 1, h, w), dtype=jnp.float32)
    frs = jax.random.uniform(k4, (b, 1), dtype=jnp.float32)
    old_frs = jax.random.uniform(k5, (b, 1), dtype=jnp.float32)
    return {"inputs": inputs, "targets": targets, "unarys": unarys, "frs": frs, "old_frs": old_frs}


def reference(inputs, targets, unarys, frs, old_frs):
    b, c, h, w = inputs.shape
    # num_classes == 3 branch
    targets_bin = (targets == 2)[:, None, :, :].astype(jnp.float32)  # b x 1 x h x w
    unarys_bin = unarys * targets_bin
    num_unary = jnp.sum(targets_bin, axis=(2, 3))  # b x 1
    filling_rates = frs * h * w / (num_unary + 10)
    filling_rates = jnp.minimum(MOMENTUM * filling_rates + (1 - MOMENTUM) * old_frs, 1.0)
    topk = jax.lax.stop_gradient(filling_rates * num_unary)

    # ---- TopKSegLoss ----
    # torch mutates targets in place: targets[targets == 2] = -1 before BOTH bg and fg terms
    targets_mut = jnp.where(targets == 2, -1, targets)
    logits_bg = jnp.transpose(inputs, (0, 2, 3, 1)).reshape(-1, c)
    loss_bg = _ce_sum(logits_bg, targets_mut.reshape(-1)) / (b * h * w - jnp.sum(num_unary) + 1)
    loss_fg = jnp.float32(0.0)
    ranks = jnp.arange(h * w)
    for i in range(b):
        k = jnp.floor(topk[i, 0]).astype(jnp.int32)
        _, idx = jax.lax.top_k(unarys_bin[i].reshape(-1), h * w)
        anchor = inputs[i].reshape(c, -1)[:, idx]  # c x (h*w)
        tfg = targets_mut[i].reshape(-1)[idx]
        tfg = jnp.where(ranks < k, tfg, -1)
        loss_fg = loss_fg + _ce_sum(anchor.T, tfg)
    loss_fg = loss_fg / jnp.sum(topk)
    topk_term = (loss_bg + loss_fg) / 2

    unary_term = jnp.mean((unarys - targets_bin) ** 2)
    fr_term = jnp.mean(filling_rates)
    loss = topk_term + ALPHA * unary_term + BETA * fr_term
    return (loss, filling_rates)

if __name__ == "__main__":
    import jax
    _d = setup_inputs()
    print(jax.jit(kernel)(*tuple(_d.values())))

</pallas_src>

<mosaic_0001>
#map = affine_map<(d0, d1) -> (0)>
#map1 = affine_map<(d0, d1) -> (0, 0)>
module attributes {stable_mosaic.version = 14 : i64} {
  func.func @_sc_stats_kernel(%arg0: i32, %arg1: i32, %arg2: memref<1048576xi32, #tpu.memory_space<hbm>>, %arg3: memref<1048576xf32, #tpu.memory_space<hbm>>, %arg4: memref<32x32xf32, #tpu.memory_space<hbm>>, %arg5: memref<32768xi32, #tpu.memory_space<vmem>>, %arg6: memref<32768xf32, #tpu.memory_space<vmem>>, %arg7: memref<32xf32, #tpu.memory_space<vmem>>) attributes {dimension_semantics = [#tpu.dimension_semantics<core_parallel>, #tpu.dimension_semantics<subcore_parallel>], iteration_bounds = array<i64: 2, 16>, scalar_prefetch = 0 : i64, scratch_operands = 3 : i64, tpu.core_type = #tpu.core_type<sc_vector_subcore>, window_params = [{transform_indices = #map}, {transform_indices = #map}, {transform_indices = #map1}]} {
    %mul3A = arith.constant 2 : i32
    %mul3A_0 = arith.muli %arg1, %mul3A : i32
    %add3A = arith.addi %mul3A_0, %arg0 : i32
    %mul3A_1 = arith.constant 32768 : i32
    %mul3A_2 = arith.muli %add3A, %mul3A_1 : i32
    "tpu.region"() ({
      %run_scoped3A = tpu.sem_alloc : memref<!tpu.dma_semaphore, #tpu.memory_space<semaphore_mem>>
      %dma_start3A = tpu.memref_slice %arg2[%mul3A_2] : memref<1048576xi32, #tpu.memory_space<hbm>> -> memref<32768xi32, #tpu.memory_space<hbm>>
      %dma_start3A_16 = tpu.memref_slice %arg2[%mul3A_2] : memref<1048576xi32, #tpu.memory_space<hbm>> -> memref<32768xi32, #tpu.memory_space<hbm>>
      tpu.enqueue_dma source(%dma_start3A_16 : memref<32768xi32, #tpu.memory_space<hbm>>) target(%arg5 : memref<32768xi32, #tpu.memory_space<vmem>>) target_semaphore(%run_scoped3A : memref<!tpu.dma_semaphore, #tpu.memory_space<semaphore_mem>>)
      %dma_wait3A = tpu.memref_slice %arg2[%mul3A_2] : memref<1048576xi32, #tpu.memory_space<hbm>> -> memref<32768xi32, #tpu.memory_space<hbm>>
      %dma_wait3A_17 = tpu.memref_slice %arg2[%mul3A_2] : memref<1048576xi32, #tpu.memory_space<hbm>> -> memref<32768xi32, #tpu.memory_space<hbm>>
      tpu.wait_dma2 semaphore(%run_scoped3A : memref<!tpu.dma_semaphore, #tpu.memory_space<semaphore_mem>>) src(%dma_wait3A_17 : memref<32768xi32, #tpu.memory_space<hbm>>) dst(%arg5 : memref<32768xi32, #tpu.memory_space<vmem>>)
      tpu.yield
    }) : () -> ()
    "tpu.region"() ({
      %run_scoped3A = tpu.sem_alloc : memref<!tpu.dma_semaphore, #tpu.memory_space<semaphore_mem>>
      %dma_start3A = tpu.memref_slice %arg3[%mul3A_2] : memref<1048576xf32, #tpu.memory_space<hbm>> -> memref<32768xf32, #tpu.memory_space<hbm>>
      %dma_start3A_16 = tpu.memref_slice %arg3[%mul3A_2] : memref<1048576xf32, #tpu.memory_space<hbm>> -> memref<32768xf32, #tpu.memory_space<hbm>>
      tpu.enqueue_dma source(%dma_start3A_16 : memref<32768xf32, #tpu.memory_space<hbm>>) target(%arg6 : memref<32768xf32, #tpu.memory_space<vmem>>) target_semaphore(%run_scoped3A : memref<!tpu.dma_semaphore, #tpu.memory_space<semaphore_mem>>)
      %dma_wait3A = tpu.memref_slice %arg3[%mul3A_2] : memref<1048576xf32, #tpu.memory_space<hbm>> -> memref<32768xf32, #tpu.memory_space<hbm>>
      %dma_wait3A_17 = tpu.memref_slice %arg3[%mul3A_2] : memref<1048576xf32, #tpu.memory_space<hbm>> -> memref<32768xf32, #tpu.memory_space<hbm>>
      tpu.wait_dma2 semaphore(%run_scoped3A : memref<!tpu.dma_semaphore, #tpu.memory_space<semaphore_mem>>) src(%dma_wait3A_17 : memref<32768xf32, #tpu.memory_space<hbm>>) dst(%arg6 : memref<32768xf32, #tpu.memory_space<vmem>>)
      tpu.yield
    }) : () -> ()
    %broadcast_in_dim3A = arith.constant 0.000000e+00 : f32
    %broadcast_in_dim3A_3 = vector.broadcast %broadcast_in_dim3A : f32 to vector<16xf32>
    %scan3A = arith.constant 0 : i32
    %scan3A_4 = arith.constant 2048 : i32
    %scan3A_5 = arith.addi %scan3A, %scan3A_4 : i32
    %scan3A_6 = arith.constant 8 : i32
    %scan3A_7:2 = scf.for %scan3A_16 = %scan3A to %scan3A_5 step %scan3A_6 iter_args(%scan3A_17 = %broadcast_in_dim3A_3, %scan3A_18 = %broadcast_in_dim3A_3) -> (vector<16xf32>, vector<16xf32>)  : i32 {
      %mul3A_19 = arith.constant 16 : i32
      %mul3A_20 = arith.muli %scan3A_16, %mul3A_19 : i32
      %get3A = arith.index_cast %mul3A_20 : i32 to index
      %get3A_21 = tpu.vector_load %arg5[%get3A] {strides = array<i32>} : memref<32768xi32, #tpu.memory_space<vmem>>, vector<16xi32>,
      %get3A_22 = vector.shape_cast %get3A_21 : vector<16xi32> to vector<16xi32>
      %get3A_23 = arith.index_cast %mul3A_20 : i32 to index
      %get3A_24 = tpu.vector_load %arg6[%get3A_23] {strides = array<i32>} : memref<32768xf32, #tpu.memory_space<vmem>>, vector<16xf32>,
      %get3A_25 = vector.shape_cast %get3A_24 : vector<16xf32> to vector<16xf32>
      %eq3A = arith.constant 2 : i32
      %eq3A_26 = vector.broadcast %eq3A : i32 to vector<16xi32>
      %eq3A_27 = arith.cmpi eq, %get3A_22, %eq3A_26 : vector<16xi32>
      %jit3A = arith.constant 1.000000e+00 : f32
      %jit3A_28 = arith.constant 0.000000e+00 : f32
      %broadcast_in_dim3A_29 = vector.broadcast %jit3A : f32 to vector<16xf32>
      %broadcast_in_dim3A_30 = vector.broadcast %jit3A_28 : f32 to vector<16xf32>
      %select_n3A = arith.select %eq3A_27, %broadcast_in_dim3A_29, %broadcast_in_dim3A_30 : vector<16xi1>, vector<16xf32>
      %sub3A = arith.subf %get3A_25, %select_n3A : vector<16xf32>
      %add3A_31 = arith.addf %scan3A_17, %select_n3A : vector<16xf32>
      %mul3A_32 = arith.mulf %sub3A, %sub3A : vector<16xf32>
      %add3A_33 = arith.addf %scan3A_18, %mul3A_32 : vector<16xf32>
      %scan3A_34 = arith.constant 1 : i32
      %scan3A_35 = arith.addi %scan3A_16, %scan3A_34 : i32
      %mul3A_36 = arith.constant 16 : i32
      %mul3A_37 = arith.muli %scan3A_35, %mul3A_36 : i32
      %get3A_38 = arith.index_cast %mul3A_37 : i32 to index
      %get3A_39 = tpu.vector_load %arg5[%get3A_38] {strides = array<i32>} : memref<32768xi32, #tpu.memory_space<vmem>>, vector<16xi32>,
      %get3A_40 = vector.shape_cast %get3A_39 : vector<16xi32> to vector<16xi32>
      %get3A_41 = arith.index_cast %mul3A_37 : i32 to index
      %get3A_42 = tpu.vector_load %arg6[%get3A_41] {strides = array<i32>} : memref<32768xf32, #tpu.memory_space<vmem>>, vector<16xf32>,
      %get3A_43 = vector.shape_cast %get3A_42 : vector<16xf32> to vector<16xf32>
      %eq3A_44 = arith.constant 2 : i32
      %eq3A_45 = vector.broadcast %eq3A_44 : i32 to vector<16xi32>
      %eq3A_46 = arith.cmpi eq, %get3A_40, %eq3A_45 : vector<16xi32>
      %jit3A_47 = arith.constant 1.000000e+00 : f32
      %jit3A_48 = arith.constant 0.000000e+00 : f32
      %broadcast_in_dim3A_49 = vector.broadcast %jit3A_47 : f32 to vector<16xf32>
      %broadcast_in_dim3A_50 = vector.broadcast %jit3A_48 : f32 to vector<16xf32>
      %select_n3A_51 = arith.select %eq3A_46, %broadcast_in_dim3A_49, %broadcast_in_dim3A_50 : vector<16xi1>, vector<16xf32>
      %sub3A_52 = arith.subf %get3A_43, %select_n3A_51 : vector<16xf32>
      %add3A_53 = arith.addf %add3A_31, %select_n3A_51 : vector<16xf32>
      %mul3A_54 = arith.mulf %sub3A_52, %sub3A_52 : vector<16xf32>
      %add3A_55 = arith.addf %add3A_33, %mul3A_54 : vector<16xf32>
      %scan3A_56 = arith.constant 2 : i32
      %scan3A_57 = arith.addi %scan3A_16, %scan3A_56 : i32
      %mul3A_58 = arith.constant 16 : i32
      %mul3A_59 = arith.muli %scan3A_57, %mul3A_58 : i32
      %get3A_60 = arith.index_cast %mul3A_59 : i32 to index
      %get3A_61 = tpu.vector_load %arg5[%get3A_60] {strides = array<i32>} : memref<32768xi32, #tpu.memory_space<vmem>>, vector<16xi32>,
      %get3A_62 = vector.shape_cast %get3A_61 : vector<16xi32> to vector<16xi32>
      %get3A_63 = arith.index_cast %mul3A_59 : i32 to index
      %get3A_64 = tpu.vector_load %arg6[%get3A_63] {strides = array<i32>} : memref<32768xf32, #tpu.memory_space<vmem>>, vector<16xf32>,
      %get3A_65 = vector.shape_cast %get3A_64 : vector<16xf32> to vector<16xf32>
      %eq3A_66 = arith.constant 2 : i32
      %eq3A_67 = vector.broadcast %eq3A_66 : i32 to vector<16xi32>
      %eq3A_68 = arith.cmpi eq, %get3A_62, %eq3A_67 : vector<16xi32>
      %jit3A_69 = arith.constant 1.000000e+00 : f32
      %jit3A_70 = arith.constant 0.000000e+00 : f32
      %broadcast_in_dim3A_71 = vector.broadcast %jit3A_69 : f32 to vector<16xf32>
      %broadcast_in_dim3A_72 = vector.broadcast %jit3A_70 : f32 to vector<16xf32>
      %select_n3A_73 = arith.select %eq3A_68, %broadcast_in_dim3A_71, %broadcast_in_dim3A_72 : vector<16xi1>, vector<16xf32>
      %sub3A_74 = arith.subf %get3A_65, %select_n3A_73 : vector<16xf32>
      %add3A_75 = arith.addf %add3A_53, %select_n3A_73 : vector<16xf32>
      %mul3A_76 = arith.mulf %sub3A_74, %sub3A_74 : vector<16xf32>
      %add3A_77 = arith.addf %add3A_55, %mul3A_76 : vector<16xf32>
      %scan3A_78 = arith.constant 3 : i32
      %scan3A_79 = arith.addi %scan3A_16, %scan3A_78 : i32
      %mul3A_80 = arith.constant 16 : i32
      %mul3A_81 = arith.muli %scan3A_79, %mul3A_80 : i32
      %get3A_82 = arith.index_cast %mul3A_81 : i32 to index
      %get3A_83 = tpu.vector_load %arg5[%get3A_82] {strides = array<i32>} : memref<32768xi32, #tpu.memory_space<vmem>>, vector<16xi32>,
      %get3A_84 = vector.shape_cast %get3A_83 : vector<16xi32> to vector<16xi32>
      %get3A_85 = arith.index_cast %mul3A_81 : i32 to index
      %get3A_86 = tpu.vector_load %arg6[%get3A_85] {strides = array<i32>} : memref<32768xf32, #tpu.memory_space<vmem>>, vector<16xf32>,
      %get3A_87 = vector.shape_cast %get3A_86 : vector<16xf32> to vector<16xf32>
      %eq3A_88 = arith.constant 2 : i32
      %eq3A_89 = vector.broadcast %eq3A_88 : i32 to vector<16xi32>
      %eq3A_90 = arith.cmpi eq, %get3A_84, %eq3A_89 : vector<16xi32>
      %jit3A_91 = arith.constant 1.000000e+00 : f32
      %jit3A_92 = arith.constant 0.000000e+00 : f32
      %broadcast_in_dim3A_93 = vector.broadcast %jit3A_91 : f32 to vector<16xf32>
      %broadcast_in_dim3A_94 = vector.broadcast %jit3A_92 : f32 to vector<16xf32>
      %select_n3A_95 = arith.select %eq3A_90, %broadcast_in_dim3A_93, %broadcast_in_dim3A_94 : vector<16xi1>, vector<16xf32>
      %sub3A_96 = arith.subf %get3A_87, %select_n3A_95 : vector<16xf32>
      %add3A_97 = arith.addf %add3A_75, %select_n3A_95 : vector<16xf32>
      %mul3A_98 = arith.mulf %sub3A_96, %sub3A_96 : vector<16xf32>
      %add3A_99 = arith.addf %add3A_77, %mul3A_98 : vector<16xf32>
      %scan3A_100 = arith.constant 4 : i32
      %scan3A_101 = arith.addi %scan3A_16, %scan3A_100 : i32
      %mul3A_102 = arith.constant 16 : i32
      %mul3A_103 = arith.muli %scan3A_101, %mul3A_102 : i32
      %get3A_104 = arith.index_cast %mul3A_103 : i32 to index
      %get3A_105 = tpu.vector_load %arg5[%get3A_104] {strides = array<i32>} : memref<32768xi32, #tpu.memory_space<vmem>>, vector<16xi32>,
      %get3A_106 = vector.shape_cast %get3A_105 : vector<16xi32> to vector<16xi32>
      %get3A_107 = arith.index_cast %mul3A_103 : i32 to index
      %get3A_108 = tpu.vector_load %arg6[%get3A_107] {strides = array<i32>} : memref<32768xf32, #tpu.memory_space<vmem>>, vector<16xf32>,
      %get3A_109 = vector.shape_cast %get3A_108 : vector<16xf32> to vector<16xf32>
      %eq3A_110 = arith.constant 2 : i32
      %eq3A_111 = vector.broadcast %eq3A_110 : i32 to vector<16xi32>
      %eq3A_112 = arith.cmpi eq, %get3A_106, %eq3A_111 : vector<16xi32>
      %jit3A_113 = arith.constant 1.000000e+00 : f32
      %jit3A_114 = arith.constant 0.000000e+00 : f32
      %broadcast_in_dim3A_115 = vector.broadcast %jit3A_113 : f32 to vector<16xf32>
      %broadcast_in_dim3A_116 = vector.broadcast %jit3A_114 : f32 to vector<16xf32>
      %select_n3A_117 = arith.select %eq3A_112, %broadcast_in_dim3A_115, %broadcast_in_dim3A_116 : vector<16xi1>, vector<16xf32>
      %sub3A_118 = arith.subf %get3A_109, %select_n3A_117 : vector<16xf32>
      %add3A_119 = arith.addf %add3A_97, %select_n3A_117 : vector<16xf32>
      %mul3A_120 = arith.mulf %sub3A_118, %sub3A_118 : vector<16xf32>
      %add3A_121 = arith.addf %add3A_99, %mul3A_120 : vector<16xf32>
      %scan3A_122 = arith.constant 5 : i32
      %scan3A_123 = arith.addi %scan3A_16, %scan3A_122 : i32
      %mul3A_124 = arith.constant 16 : i32
      %mul3A_125 = arith.muli %scan3A_123, %mul3A_124 : i32
      %get3A_126 = arith.index_cast %mul3A_125 : i32 to index
      %get3A_127 = tpu.vector_load %arg5[%get3A_126] {strides = array<i32>} : memref<32768xi32, #tpu.memory_space<vmem>>, vector<16xi32>,
      %get3A_128 = vector.shape_cast %get3A_127 : vector<16xi32> to vector<16xi32>
      %get3A_129 = arith.index_cast %mul3A_125 : i32 to index
      %get3A_130 = tpu.vector_load %arg6[%get3A_129] {strides = array<i32>} : memref<32768xf32, #tpu.memory_space<vmem>>, vector<16xf32>,
      %get3A_131 = vector.shape_cast %get3A_130 : vector<16xf32> to vector<16xf32>
      %eq3A_132 = arith.constant 2 : i32
      %eq3A_133 = vector.broadcast %eq3A_132 : i32 to vector<16xi32>
      %eq3A_134 = arith.cmpi eq, %get3A_128, %eq3A_133 : vector<16xi32>
      %jit3A_135 = arith.constant 1.000000e+00 : f32
      %jit3A_136 = arith.constant 0.000000e+00 : f32
      %broadcast_in_dim3A_137 = vector.broadcast %jit3A_135 : f32 to vector<16xf32>
      %broadcast_in_dim3A_138 = vector.broadcast %jit3A_136 : f32 to vector<16xf32>
      %select_n3A_139 = arith.select %eq3A_134, %broadcast_in_dim3A_137, %broadcast_in_dim3A_138 : vector<16xi1>, vector<16xf32>
      %sub3A_140 = arith.subf %get3A_131, %select_n3A_139 : vector<16xf32>
      %add3A_141 = arith.addf %add3A_119, %select_n3A_139 : vector<16xf32>
      %mul3A_142 = arith.mulf %sub3A_140, %sub3A_140 : vector<16xf32>
      %add3A_143 = arith.addf %add3A_121, %mul3A_142 : vector<16xf32>
      %scan3A_144 = arith.constant 6 : i32
      %scan3A_145 = arith.addi %scan3A_16, %scan3A_144 : i32
      %mul3A_146 = arith.constant 16 : i32
      %mul3A_147 = arith.muli %scan3A_145, %mul3A_146 : i32
      %get3A_148 = arith.index_cast %mul3A_147 : i32 to index
      %get3A_149 = tpu.vector_load %arg5[%get3A_148] {strides = array<i32>} : memref<32768xi32, #tpu.memory_space<vmem>>, vector<16xi32>,
      %get3A_150 = vector.shape_cast %get3A_149 : vector<16xi32> to vector<16xi32>
      %get3A_151 = arith.index_cast %mul3A_147 : i32 to index
      %get3A_152 = tpu.vector_load %arg6[%get3A_151] {strides = array<i32>} : memref<32768xf32, #tpu.memory_space<vmem>>, vector<16xf32>,
      %get3A_153 = vector.shape_cast %get3A_152 : vector<16xf32> to vector<16xf32>
      %eq3A_154 = arith.constant 2 : i32
      %eq3A_155 = vector.broadcast %eq3A_154 : i32 to vector<16xi32>
      %eq3A_156 = arith.cmpi eq, %get3A_150, %eq3A_155 : vector<16xi32>
      %jit3A_157 = arith.constant 1.000000e+00 : f32
      %jit3A_158 = arith.constant 0.000000e+00 : f32
      %broadcast_in_dim3A_159 = vector.broadcast %jit3A_157 : f32 to vector<16xf32>
      %broadcast_in_dim3A_160 = vector.broadcast %jit3A_158 : f32 to vector<16xf32>
      %select_n3A_161 = arith.select %eq3A_156, %broadcast_in_dim3A_159, %broadcast_in_dim3A_160 : vector<16xi1>, vector<16xf32>
      %sub3A_162 = arith.subf %get3A_153, %select_n3A_161 : vector<16xf32>
      %add3A_163 = arith.addf %add3A_141, %select_n3A_161 : vector<16xf32>
      %mul3A_164 = arith.mulf %sub3A_162, %sub3A_162 : vector<16xf32>
      %add3A_165 = arith.addf %add3A_143, %mul3A_164 : vector<16xf32>
      %scan3A_166 = arith.constant 7 : i32
      %scan3A_167 = arith.addi %scan3A_16, %scan3A_166 : i32
      %mul3A_168 = arith.constant 16 : i32
      %mul3A_169 = arith.muli %scan3A_167, %mul3A_168 : i32
      %get3A_170 = arith.index_cast %mul3A_169 : i32 to index
      %get3A_171 = tpu.vector_load %arg5[%get3A_170] {strides = array<i32>} : memref<32768xi32, #tpu.memory_space<vmem>>, vector<16xi32>,
      %get3A_172 = vector.shape_cast %get3A_171 : vector<16xi32> to vector<16xi32>
      %get3A_173 = arith.index_cast %mul3A_169 : i32 to index
      %get3A_174 = tpu.vector_load %arg6[%get3A_173] {strides = array<i32>} : memref<32768xf32, #tpu.memory_space<vmem>>, vector<16xf32>,
      %get3A_175 = vector.shape_cast %get3A_174 : vector<16xf32> to vector<16xf32>
      %eq3A_176 = arith.constant 2 : i32
      %eq3A_177 = vector.broadcast %eq3A_176 : i32 to vector<16xi32>
      %eq3A_178 = arith.cmpi eq, %get3A_172, %eq3A_177 : vector<16xi32>
      %jit3A_179 = arith.constant 1.000000e+00 : f32
      %jit3A_180 = arith.constant 0.000000e+00 : f32
      %broadcast_in_dim3A_181 = vector.broadcast %jit3A_179 : f32 to vector<16xf32>
      %broadcast_in_dim3A_182 = vector.broadcast %jit3A_180 : f32 to vector<16xf32>
      %select_n3A_183 = arith.select %eq3A_178, %broadcast_in_dim3A_181, %broadcast_in_dim3A_182 : vector<16xi1>, vector<16xf32>
      %sub3A_184 = arith.subf %get3A_175, %select_n3A_183 : vector<16xf32>
      %add3A_185 = arith.addf %add3A_163, %select_n3A_183 : vector<16xf32>
      %mul3A_186 = arith.mulf %sub3A_184, %sub3A_184 : vector<16xf32>
      %add3A_187 = arith.addf %add3A_165, %mul3A_186 : vector<16xf32>
      scf.yield %add3A_185, %add3A_187 : vector<16xf32>, vector<16xf32>
    }
    %scan3A_8 = arith.constant 2048 : i32
    %swap3A = arith.constant 0 : index
    %swap3A_9 = tpu.vector_load %arg7[%swap3A] {strides = array<i32>} : memref<32xf32, #tpu.memory_space<vmem>>, vector<16xf32>,
    %swap3A_10 = vector.shape_cast %swap3A_9 : vector<16xf32> to vector<16xf32>
    %swap3A_11 = vector.shape_cast %scan3A_7#0 : vector<16xf32> to vector<16xf32>
    tpu.vector_store %arg7[%swap3A], %swap3A_11 {strides = array<i32>} : memref<32xf32, #tpu.memory_space<vmem>>, vector<16xf32>,
    %swap3A_12 = arith.constant 16 : index
    %swap3A_13 = tpu.vector_load %arg7[%swap3A_12] {strides = array<i32>} : memref<32xf32, #tpu.memory_space<vmem>>, vector<16xf32>,
    %swap3A_14 = vector.shape_cast %swap3A_13 : vector<16xf32> to vector<16xf32>
    %swap3A_15 = vector.shape_cast %scan3A_7#1 : vector<16xf32> to vector<16xf32>
    tpu.vector_store %arg7[%swap3A_12], %swap3A_15 {strides = array<i32>} : memref<32xf32, #tpu.memory_space<vmem>>, vector<16xf32>,
    "tpu.region"() ({
      %run_scoped3A = tpu.sem_alloc : memref<!tpu.dma_semaphore, #tpu.memory_space<semaphore_mem>>
      %dma_start3A = arith.constant 0 : i32
      %dma_start3A_16 = tpu.memref_slice %arg4[%add3A, %dma_start3A] : memref<32x32xf32, #tpu.memory_space<hbm>> -> memref<1x32xf32, #tpu.memory_space<hbm>>
      %dma_start3A_17 = tpu.memref_squeeze %dma_start3A_16 : memref<1x32xf32, #tpu.memory_space<hbm>> -> memref<32xf32, #tpu.memory_space<hbm>>
      %dma_start3A_18 = arith.constant 0 : i32
      %dma_start3A_19 = tpu.memref_slice %arg4[%add3A, %dma_start3A_18] : memref<32x32xf32, #tpu.memory_space<hbm>> -> memref<1x32xf32, #tpu.memory_space<hbm>>
      %dma_start3A_20 = tpu.memref_squeeze %dma_start3A_19 : memref<1x32xf32, #tpu.memory_space<hbm>> -> memref<32xf32, #tpu.memory_space<hbm>>
      tpu.enqueue_dma source(%arg7 : memref<32xf32, #tpu.memory_space<vmem>>) target(%dma_start3A_20 : memref<32xf32, #tpu.memory_space<hbm>>) target_semaphore(%run_scoped3A : memref<!tpu.dma_semaphore, #tpu.memory_space<semaphore_mem>>)
      %dma_wait3A = arith.constant 0 : i32
      %dma_wait3A_21 = tpu.memref_slice %arg4[%add3A, %dma_wait3A] : memref<32x32xf32, #tpu.memory_space<hbm>> -> memref<1x32xf32, #tpu.memory_space<hbm>>
      %dma_wait3A_22 = tpu.memref_squeeze %dma_wait3A_21 : memref<1x32xf32, #tpu.memory_space<hbm>> -> memref<32xf32, #tpu.memory_space<hbm>>
      %dma_wait3A_23 = arith.constant 0 : i32
      %dma_wait3A_24 = tpu.memref_slice %arg4[%add3A, %dma_wait3A_23] : memref<32x32xf32, #tpu.memory_space<hbm>> -> memref<1x32xf32, #tpu.memory_space<hbm>>
      %dma_wait3A_25 = tpu.memref_squeeze %dma_wait3A_24 : memref<1x32xf32, #tpu.memory_space<hbm>> -> memref<32xf32, #tpu.memory_space<hbm>>
      tpu.wait_dma2 semaphore(%run_scoped3A : memref<!tpu.dma_semaphore, #tpu.memory_space<semaphore_mem>>) src(%arg7 : memref<32xf32, #tpu.memory_space<vmem>>) dst(%dma_wait3A_25 : memref<32xf32, #tpu.memory_space<hbm>>)
      tpu.yield
    }) : () -> ()
    return
  }
}

module attributes {stable_mosaic.version = 14 : i64} {
  func.func @_ce_kernel(%arg0: i32, %arg1: memref<2x3x512x512xf32, #tpu.memory_space<vmem>>, %arg2: memref<2x512x512xi32, #tpu.memory_space<vmem>>, %arg3: memref<1xf32, #tpu.memory_space<smem>>, %arg4: memref<1xf32, #tpu.memory_space<smem>>) attributes {dimension_semantics = [#tpu.dimension_semantics<arbitrary>], iteration_bounds = array<i64: 2>, scalar_prefetch = 0 : i64, scratch_operands = 1 : i64, tpu.core_type = #tpu.core_type<tc>, window_params = [{transform_indices = @transform_0, window_bounds = array<i64: 2, 3, 512, 512>}, {transform_indices = @transform_1, window_bounds = array<i64: 2, 512, 512>}, {transform_indices = @transform_2, window_bounds = array<i64: 1>}]} {
    %eq3A = arith.constant 0 : i32
    %eq3A_0 = arith.cmpi eq, %arg0, %eq3A : i32
    %convert_element_type3A = arith.extui %eq3A_0 : i1 to i32
    %cond3A = arith.constant 0 : i32
    %cond3A_1 = arith.cmpi ne, %convert_element_type3A, %cond3A : i32
    scf.if %cond3A_1 {
      %swap3A_108 = arith.constant 0.000000e+00 : f32
      %swap3A_109 = arith.constant 0 : index
      %swap3A_110 = memref.load %arg4[%swap3A_109] : memref<1xf32, #tpu.memory_space<smem>>
      memref.store %swap3A_108, %arg4[%swap3A_109] : memref<1xf32, #tpu.memory_space<smem>>
    } else {
    }
    %get3A = arith.constant 0 : index
    %get3A_2 = arith.constant 0 : index
    %get3A_3 = arith.constant 0 : index
    %get3A_4 = arith.constant 0 : index
    %get3A_5 = vector.load %arg1[%get3A, %get3A_2, %get3A_3, %get3A_4] : memref<2x3x512x512xf32, #tpu.memory_space<vmem>>, vector<1x1x512x512xf32>
    %get3A_6 = vector.shape_cast %get3A_5 : vector<1x1x512x512xf32> to vector<512x512xf32>
    %get3A_7 = arith.constant 0 : index
    %get3A_8 = arith.constant 1 : index
    %get3A_9 = arith.constant 0 : index
    %get3A_10 = arith.constant 0 : index
    %get3A_11 = vector.load %arg1[%get3A_7, %get3A_8, %get3A_9, %get3A_10] : memref<2x3x512x512xf32, #tpu.memory_space<vmem>>, vector<1x1x512x512xf32>
    %get3A_12 = vector.shape_cast %get3A_11 : vector<1x1x512x512xf32> to vector<512x512xf32>
    %get3A_13 = arith.constant 0 : index
    %get3A_14 = arith.constant 2 : index
    %get3A_15 = arith.constant 0 : index
    %get3A_16 = arith.constant 0 : index
    %get3A_17 = vector.load %arg1[%get3A_13, %get3A_14, %get3A_15, %get3A_16] : memref<2x3x512x512xf32, #tpu.memory_space<vmem>>, vector<1x1x512x512xf32>
    %get3A_18 = vector.shape_cast %get3A_17 : vector<1x1x512x512xf32> to vector<512x512xf32>
    %get3A_19 = arith.constant 0 : index
    %get3A_20 = arith.constant 0 : index
    %get3A_21 = arith.constant 0 : index
    %get3A_22 = vector.load %arg2[%get3A_19, %get3A_20, %get3A_21] : memref<2x512x512xi32, #tpu.memory_space<vmem>>, vector<1x512x512xi32>
    %get3A_23 = vector.shape_cast %get3A_22 : vector<1x512x512xi32> to vector<512x512xi32>
    %max3A = arith.maximumf %get3A_6, %get3A_12 : vector<512x512xf32>
    %max3A_24 = arith.maximumf %max3A, %get3A_18 : vector<512x512xf32>
    %sub3A = arith.subf %get3A_6, %max3A_24 : vector<512x512xf32>
    %exp3A = math.exp %sub3A : vector<512x512xf32>
    %sub3A_25 = arith.subf %get3A_12, %max3A_24 : vector<512x512xf32>
    %exp3A_26 = math.exp %sub3A_25 : vector<512x512xf32>
    %add3A = arith.addf %exp3A, %exp3A_26 : vector<512x512xf32>
    %sub3A_27 = arith.subf %get3A_18, %max3A_24 : vector<512x512xf32>
    %exp3A_28 = math.exp %sub3A_27 : vector<512x512xf32>
    %add3A_29 = arith.addf %add3A, %exp3A_28 : vector<512x512xf32>
    %log3A = math.log %add3A_29 : vector<512x512xf32>
    %add3A_30 = arith.addf %max3A_24, %log3A : vector<512x512xf32>
    %eq3A_31 = arith.constant 1 : i32
    %eq3A_32 = vector.broadcast %eq3A_31 : i32 to vector<512x512xi32>
    %eq3A_33 = arith.cmpi eq, %get3A_23, %eq3A_32 : vector<512x512xi32>
    %select_n3A = arith.select %eq3A_33, %get3A_12, %get3A_6 : vector<512x512xi1>, vector<512x512xf32>
    %eq3A_34 = arith.constant 2 : i32
    %eq3A_35 = vector.broadcast %eq3A_34 : i32 to vector<512x512xi32>
    %eq3A_36 = arith.cmpi eq, %get3A_23, %eq3A_35 : vector<512x512xi32>
    %sub3A_37 = arith.subf %add3A_30, %select_n3A : vector<512x512xf32>
    %jit3A = arith.constant 0.000000e+00 : f32
    %broadcast_in_dim3A = vector.broadcast %jit3A : f32 to vector<512x512xf32>
    %select_n3A_38 = arith.select %eq3A_36, %broadcast_in_dim3A, %sub3A_37 : vector<512x512xi1>, vector<512x512xf32>
    %get3A_39 = arith.constant 0 : index
    %get3A_40 = memref.load %arg4[%get3A_39] : memref<1xf32, #tpu.memory_space<smem>>
    %reduce_sum3A = vector.shape_cast %select_n3A_38 : vector<512x512xf32> to vector<1x512x512xf32>
    %reduce_sum3A_41 = arith.constant dense<0.000000e+00> : vector<1xf32>
    %reduce_sum3A_42 = vector.multi_reduction <add>, %reduce_sum3A, %reduce_sum3A_41 [1, 2] : vector<1x512x512xf32> to vector<1xf32>
    %reduce_sum3A_43 = vector.shape_cast %reduce_sum3A_42 : vector<1xf32> to vector<1x1x1xf32>
    %reduce_sum3A_44 = vector.extract %reduce_sum3A_43[0, 0, 0] : f32 from vector<1x1x1xf32>
    %add3A_45 = arith.addf %get3A_40, %reduce_sum3A_44 : f32
    %swap3A = arith.constant 0 : index
    %swap3A_46 = memref.load %arg4[%swap3A] : memref<1xf32, #tpu.memory_space<smem>>
    memref.store %add3A_45, %arg4[%swap3A] : memref<1xf32, #tpu.memory_space<smem>>
    %get3A_47 = arith.constant 1 : index
    %get3A_48 = arith.constant 0 : index
    %get3A_49 = arith.constant 0 : index
    %get3A_50 = arith.constant 0 : index
    %get3A_51 = vector.load %arg1[%get3A_47, %get3A_48, %get3A_49, %get3A_50] : memref<2x3x512x512xf32, #tpu.memory_space<vmem>>, vector<1x1x512x512xf32>
    %get3A_52 = vector.shape_cast %get3A_51 : vector<1x1x512x512xf32> to vector<512x512xf32>
    %get3A_53 = arith.constant 1 : index
    %get3A_54 = arith.constant 1 : index
    %get3A_55 = arith.constant 0 : index
    %get3A_56 = arith.constant 0 : index
    %get3A_57 = vector.load %arg1[%get3A_53, %get3A_54, %get3A_55, %get3A_56] : memref<2x3x512x512xf32, #tpu.memory_space<vmem>>, vector<1x1x512x512xf32>
    %get3A_58 = vector.shape_cast %get3A_57 : vector<1x1x512x512xf32> to vector<512x512xf32>
    %get3A_59 = arith.constant 1 : index
    %get3A_60 = arith.constant 2 : index
    %get3A_61 = arith.constant 0 : index
    %get3A_62 = arith.constant 0 : index
    %get3A_63 = vector.load %arg1[%get3A_59, %get3A_60, %get3A_61, %get3A_62] : memref<2x3x512x512xf32, #tpu.memory_space<vmem>>, vector<1x1x512x512xf32>
    %get3A_64 = vector.shape_cast %get3A_63 : vector<1x1x512x512xf32> to vector<512x512xf32>
    %get3A_65 = arith.constant 1 : index
    %get3A_66 = arith.constant 0 : index
    %get3A_67 = arith.constant 0 : index
    %get3A_68 = vector.load %arg2[%get3A_65, %get3A_66, %get3A_67] : memref<2x512x512xi32, #tpu.memory_space<vmem>>, vector<1x512x512xi32>
    %get3A_69 = vector.shape_cast %get3A_68 : vector<1x512x512xi32> to vector<512x512xi32>
    %max3A_70 = arith.maximumf %get3A_52, %get3A_58 : vector<512x512xf32>
    %max3A_71 = arith.maximumf %max3A_70, %get3A_64 : vector<512x512xf32>
    %sub3A_72 = arith.subf %get3A_52, %max3A_71 : vector<512x512xf32>
    %exp3A_73 = math.exp %sub3A_72 : vector<512x512xf32>
    %sub3A_74 = arith.subf %get3A_58, %max3A_71 : vector<512x512xf32>
    %exp3A_75 = math.exp %sub3A_74 : vector<512x512xf32>
    %add3A_76 = arith.addf %exp3A_73, %exp3A_75 : vector<512x512xf32>
    %sub3A_77 = arith.subf %get3A_64, %max3A_71 : vector<512x512xf32>
    %exp3A_78 = math.exp %sub3A_77 : vector<512x512xf32>
    %add3A_79 = arith.addf %add3A_76, %exp3A_78 : vector<512x512xf32>
    %log3A_80 = math.log %add3A_79 : vector<512x512xf32>
    %add3A_81 = arith.addf %max3A_71, %log3A_80 : vector<512x512xf32>
    %eq3A_82 = arith.constant 1 : i32
    %eq3A_83 = vector.broadcast %eq3A_82 : i32 to vector<512x512xi32>
    %eq3A_84 = arith.cmpi eq, %get3A_69, %eq3A_83 : vector<512x512xi32>
    %select_n3A_85 = arith.select %eq3A_84, %get3A_58, %get3A_52 : vector<512x512xi1>, vector<512x512xf32>
    %eq3A_86 = arith.constant 2 : i32
    %eq3A_87 = vector.broadcast %eq3A_86 : i32 to vector<512x512xi32>
    %eq3A_88 = arith.cmpi eq, %get3A_69, %eq3A_87 : vector<512x512xi32>
    %sub3A_89 = arith.subf %add3A_81, %select_n3A_85 : vector<512x512xf32>
    %jit3A_90 = arith.constant 0.000000e+00 : f32
    %broadcast_in_dim3A_91 = vector.broadcast %jit3A_90 : f32 to vector<512x512xf32>
    %select_n3A_92 = arith.select %eq3A_88, %broadcast_in_dim3A_91, %sub3A_89 : vector<512x512xi1>, vector<512x512xf32>
    %get3A_93 = arith.constant 0 : index
    %get3A_94 = memref.load %arg4[%get3A_93] : memref<1xf32, #tpu.memory_space<smem>>
    %reduce_sum3A_95 = vector.shape_cast %select_n3A_92 : vector<512x512xf32> to vector<1x512x512xf32>
    %reduce_sum3A_96 = arith.constant dense<0.000000e+00> : vector<1xf32>
    %reduce_sum3A_97 = vector.multi_reduction <add>, %reduce_sum3A_95, %reduce_sum3A_96 [1, 2] : vector<1x512x512xf32> to vector<1xf32>
    %reduce_sum3A_98 = vector.shape_cast %reduce_sum3A_97 : vector<1xf32> to vector<1x1x1xf32>
    %reduce_sum3A_99 = vector.extract %reduce_sum3A_98[0, 0, 0] : f32 from vector<1x1x1xf32>
    %add3A_100 = arith.addf %get3A_94, %reduce_sum3A_99 : f32
    %swap3A_101 = arith.constant 0 : index
    %swap3A_102 = memref.load %arg4[%swap3A_101] : memref<1xf32, #tpu.memory_space<smem>>
    memref.store %add3A_100, %arg4[%swap3A_101] : memref<1xf32, #tpu.memory_space<smem>>
    %eq3A_103 = arith.constant 1 : i32
    %eq3A_104 = arith.cmpi eq, %arg0, %eq3A_103 : i32
    %convert_element_type3A_105 = arith.extui %eq3A_104 : i1 to i32
    %cond3A_106 = arith.constant 0 : i32
    %cond3A_107 = arith.cmpi ne, %convert_element_type3A_105, %cond3A_106 : i32
    scf.if %cond3A_107 {
      %get3A_108 = arith.constant 0 : index
      %get3A_109 = memref.load %arg4[%get3A_108] : memref<1xf32, #tpu.memory_space<smem>>
      %swap3A_110 = arith.constant 0 : index
      %swap3A_111 = memref.load %arg3[%swap3A_110] : memref<1xf32, #tpu.memory_space<smem>>
      memref.store %get3A_109, %arg3[%swap3A_110] : memref<1xf32, #tpu.memory_space<smem>>
    } else {
    }
    return
  }
  func.func @transform_0(%arg0: i32) -> (i32, i32, i32, i32) {
    %c0_i32 = arith.constant 0 : i32
    %c0_i32_0 = arith.constant 0 : i32
    %c0_i32_1 = arith.constant 0 : i32
    %c0_i32_2 = arith.constant 0 : i32
    return %arg0, %c0_i32, %c0_i32_0, %c0_i32_1 : i32, i32, i32, i32
  }
  func.func @transform_1(%arg0: i32) -> (i32, i32, i32) {
    %c0_i32 = arith.constant 0 : i32
    %c0_i32_0 = arith.constant 0 : i32
    %c0_i32_1 = arith.constant 0 : i32
    return %arg0, %c0_i32, %c0_i32_0 : i32, i32, i32
  }
  func.func @transform_2(%arg0: i32) -> i32 {
    %c0_i32 = arith.constant 0 : i32
    %c0_i32_0 = arith.constant 0 : i32
    return %c0_i32 : i32
  }
}

</mosaic_0001>

<sc_bundles>
// kernel: kernel.4.cloned.1.call-start
scs
__scs_entry_jumppad:
0x0: {  	(pc) =	sbr.rel $0x88, $3  }
0x1: {  	(tag) =	ssettag $0x0;
	lr =	simm.s32 $0x1  }
0x2: {  	[smem:$0x3F9C] =	sst lr;
	_ =	strace $0xD0000000  }
0x3: {  	_ = 	snop  }
0x4: {  	_ = 	snop  }
0x5: {  	_ = 	snop  }
0x6: {  	_ = 	snop  }
0x7: {  	_ = 	snop  }
__scs_overlays_trampoline_lowered:
0x8: {  	[smem:$0x3FAB] =	sst s0  }
0x9: {  	[smem:$0x3FAC] =	sst s1  }
0xa: {  	[smem:$0x3FAD] =	sst s2  }
0xb: {  	[smem:$0x3FAE] =	sst s3  }
0xc: {  	[smem:$0x3FAF] =	sst s4  }
0xd: {  	[smem:$0x3FB0] =	sst s5  }
0xe: {  	[smem:$0x3FB1] =	sst s6  }
0xf: {  	[smem:$0x3FB2] =	sst s7  }
0x10: {  	[smem:$0x3FB3] =	sst s8  }
0x11: {  	[smem:$0x3FB4] =	sst s9;
	s0 =	simm.s32 @!p0 $0x0  }
0x12: {  	s1 =	sld [smem:$0x3F9A];
	s0 =	simm.s32 @p0 $0x1  }
0x13: {  	[smem:$0x3FB5] =	sst s0;
	s0 =	simm.s32 @!p1 $0x0  }
0x14: {  	s2 =	sld [smem:$0x3F99];
	s0 =	simm.s32 @p1 $0x1  }
0x15: {  	[smem:$0x3FB6] =	sst s0;
	s0 =	simm.s32 @!p2 $0x0  }
0x16: {  	s3 =	sld [smem:$0x3FDB];
	s0 =	simm.s32 @p2 $0x1  }
0x17: {  	s4 =	simm.s32 $0x1BF5;
	[smem:$0x3FB8] =	sst s0  }
0x18: {  	s0 =	sld [smem:$0x3F9B];
	_ =	swait.ge [sflag:s4], $0x0  }
0x19: {  	s7 =	sld [smem:$0x3F9C]  }
0x1a: {  	s8 =	sadd.s32 $0xFFFFE003, lr  }
0x1b: {  	s9 =	sadd.s32 $0xFFFFFEF7, lr;
	s5 =	simm.s32 $0xFFFFFFFF;
	p2 =	slt.u32 s8, $0xFFFFF086  }
0x1c: {  	p1 =	slt.u32 s9, $0xF7A;
	s5 =	simm.s32 @!p2 $0x0  }
0x1d: {  	s5 =	simm.s32 @p1 $0x1;
	p0 =	seq.s32 s7, s2  }
0x1e: {  	s7 =	smul.u32 @!p0 $0xF7A, s2;
	p2 =	seq.s32 @!p0 s5, $0x0  }
0x1f: {  	s9 =	smul.u32 $0xF7A, s1;
	s8 =	simm.s32 @!p0 $0x1BF5;
	p2 =	por !p2, p0  }
0x20: {  	[sflag:s8] =	ssyncset.s32 @!p0 $0xFFFFF086;
	s6 =	sadd.s32 @!p0 s3, s7;
	s7 =	simm.s32 @!p0 $0x108  }
0x21: {  	s3 =	sadd.s32 s3, s9;
	s6 =	sadd.s32 @!p0 $0x88, s6;
	s7 =	simm.s32 @p2 $0x1082  }
0x22: {  	[simem:s7], [sflag:s8] =	dma.local @!p0 [hbm:s6], $0xF7A  }
0x23: {  	s9 =	sor.u32 $0xD0000000, s2;
	s6 =	simm.s32 $0x108;
	_ =	swait.ge @!p0 [sflag:s8], $0x0  }
0x24: {  	s3 =	sadd.s32 $0x88, s3;
	s6 =	simm.s32 @!p1 $0x1082;
	[sflag:s4] =	ssyncset.s32 $0xFFFFF086  }
0x25: {  	[simem:s6], [sflag:s4] =	dma.local [hbm:s3], $0xF7A  }
0x26: {  	[smem:$0x3F9C] =	sst s1;
	(tag) =	ssettag s2;
	_ =	strace s9  }
0x27: {  	s1 =	sld [smem:$0x3FAC]  }
0x28: {  	s2 =	sld [smem:$0x3FAD]  }
0x29: {  	s4 =	sld [smem:$0x3FAF]  }
0x2a: {  	p0 =	seq.s32 s5, $0x0;
	s5 =	sld [smem:$0x3FB0]  }
0x2b: {  	s6 =	sld [smem:$0x3FB1]  }
0x2c: {  	s7 =	sld [smem:$0x3FB2]  }
0x2d: {  	s3 =	simm.s32 $0x108;
	s8 =	sld [smem:$0x3FB3]  }
0x2e: {  	s3 =	simm.s32 @!p0 $0x1082;
	s9 =	sld [smem:$0x3FB4]  }
0x2f: {  	lr =	sadd.s32 s0, s3;
	s0 =	sld [smem:$0x3FAB]  }
0x30: {  	s3 =	sld [smem:$0x3FAE]  }
0x31: {  	[smem:$0x3FB7] =	sst s10  }
0x32: {  	s10 =	sld [smem:$0x3FB5];
	_ =	sdelay $0x3  }
0x33: {  	p0 =	seq.s32 s10, $0x1;
	s10 =	sld [smem:$0x3FB7];
	_ =	sdelay $0x3  }
0x34: {  	[smem:$0x3FB7] =	sst s10  }
0x35: {  	s10 =	sld [smem:$0x3FB6];
	_ =	sdelay $0x3  }
0x36: {  	p1 =	seq.s32 s10, $0x1;
	s10 =	sld [smem:$0x3FB7];
	_ =	sdelay $0x3  }
0x37: {  	[smem:$0x3FB7] =	sst s10  }
0x38: {  	s10 =	sld [smem:$0x3FB8]  }
0x39: {  	_ = 	snop;
	(pc) =	sbr.ind lr, $3  }
0x3a: {  	_ = 	snop  }
0x3b: {  	_ = 	snop  }
0x3c: {  	p2 =	seq.s32 s10, $0x1;
	s10 =	sld [smem:$0x3FB7]  }
0x3d: {  	_ =	shalt  }
0x3e: {  	_ =	shalt  }
0x3f: {  	_ =	shalt  }
0x40: {  	_ =	shalt  }
0x41: {  	_ =	shalt  }
0x42: {  	_ =	shalt  }
0x43: {  	_ =	shalt  }
0x44: {  	_ =	shalt  }
0x45: {  	_ =	shalt  }
0x46: {  	_ =	shalt  }
0x47: {  	_ =	shalt  }
0x48: {  	_ =	shalt  }
0x49: {  	_ =	shalt  }
0x4a: {  	_ =	shalt  }
0x4b: {  	_ =	shalt  }
0x4c: {  	_ =	shalt  }
0x4d: {  	_ =	shalt  }
0x4e: {  	_ =	shalt  }
0x4f: {  	_ =	shalt  }
0x50: {  	_ =	shalt  }
0x51: {  	_ =	shalt  }
0x52: {  	_ =	shalt  }
0x53: {  	_ =	shalt  }
0x54: {  	_ =	shalt  }
0x55: {  	_ =	shalt  }
0x56: {  	_ =	shalt  }
0x57: {  	_ =	shalt  }
0x58: {  	_ =	shalt  }
0x59: {  	_ =	shalt  }
0x5a: {  	_ =	shalt  }
0x5b: {  	_ =	shalt  }
0x5c: {  	_ =	shalt  }
0x5d: {  	_ =	shalt  }
0x5e: {  	_ =	shalt  }
0x5f: {  	_ =	shalt  }
0x60: {  	_ =	shalt  }
0x61: {  	_ =	shalt  }
0x62: {  	_ =	shalt  }
0x63: {  	_ =	shalt  }
0x64: {  	_ =	shalt  }
0x65: {  	_ =	shalt  }
0x66: {  	_ =	shalt  }
0x67: {  	_ =	shalt  }
0x68: {  	_ =	shalt  }
0x69: {  	_ =	shalt  }
0x6a: {  	_ =	shalt  }
0x6b: {  	_ =	shalt  }
0x6c: {  	_ =	shalt  }
0x6d: {  	_ =	shalt  }
0x6e: {  	_ =	shalt  }
0x6f: {  	_ =	shalt  }
0x70: {  	_ =	shalt  }
0x71: {  	_ =	shalt  }
0x72: {  	_ =	shalt  }
0x73: {  	_ =	shalt  }
0x74: {  	_ =	shalt  }
0x75: {  	_ =	shalt  }
0x76: {  	_ =	shalt  }
0x77: {  	_ =	shalt  }
0x78: {  	_ =	shalt  }
0x79: {  	_ =	shalt  }
0x7a: {  	_ =	shalt  }
0x7b: {  	_ =	shalt  }
0x7c: {  	_ =	shalt  }
0x7d: {  	_ =	shalt  }
0x7e: {  	_ =	shalt  }
0x7f: {  	_ =	shalt  }
0x80: {  	_ =	shalt  }
0x81: {  	_ =	shalt  }
0x82: {  	_ =	shalt  }
0x83: {  	_ =	shalt  }
0x84: {  	_ =	shalt  }
0x85: {  	_ =	shalt  }
0x86: {  	_ =	shalt  }
0x87: {  	_ =	shalt  }
.Lfunc_end0:
.L_simem_size_0:
called_computation_lowered:
.L_overlay_start_0:
0x88: {  	s2 =	sld [smem:$0x3FD9]  }
0x89: {  	s3 =	sld [smem:$0x3FFE];
	_ =	sdelay $0x1  }
0x8a: {  	s1 =	srdreg.scid  }
0x8b: {  	s0 =	sand.u32 $0x1, s1  }
0x8c: {  	s16 =	sshll.u32 s0, $0xA;
	s2 =	sadd.s32 s3, s2  }
0x8d: {  	s2 =	sadd.s32 s2, s16  }
0x8e: {  	[smem:$0x3FC3] =	sst s2  }
0x8f: {  	_ = 	snop  }
0x90: {  	(tm) =	ssettm $0x1  }
0x91: {  	s17 =	sld [smem:$0x3FFB];
	_ =	sdelay $0x3  }
0x92: {  	_ =	strace s17  }
0x93: {  	s2 =	sld [smem:$0x3FFC];
	_ =	sdelay $0x3  }
0x94: {  	_ =	strace s2  }
0x95: {  	s2 =	sld [smem:$0x3FFD];
	_ =	sdelay $0x3  }
0x96: {  	_ =	strace s2  }
0x97: {  	_ =	strace $0x8FFFFFFF  }
0x98: {  	s18 =	sld [smem:$0x3FDB];
	_ =	sdelay $0x1  }
0x99: {  	s19 =	simm.s32 $_scs_section_size  }
0x9a: {  	s4 =	simm.s32 $_size__tile_overlayer_lowered;
	s5 =	simm.s32 $_tile_overlayer_lowered  }
0x9b: {  	s22 =	simm.s32 $0x1BFF;
	s21 =	sshll.u32 s5, $0x1;
	s2 =	sadd.s32 s19, s18  }
0x9c: {  	s6 =	simm.s32 $0x0;
	s20 =	sshll.u32 s4, $0x1;
	s4 =	sadd.s32 s21, s2  }
0x9d: {  	[timem:s6], [sflag:s22] =	dma.local [hbm:s4], s20  }
0x9e: {  	_ =	swait.ge [sflag:s22], s20  }
0x9f: {  	s3 =	ssub.s32 $0x0, s20;
	[sflag:s22] =	ssyncset.done $0x0  }
0xa0: {  	[sflag:s22] =	ssyncadd.s32 s3;
	_ =	sdelay $0x1  }
0xa1: {  	s23 =	simm.s32 $0x1B8B  }
0xa2: {  	_ =	swait.ge [sflag:s23], $0x1  }
0xa3: {  	[sflag:s23] =	ssyncset.done $0x0  }
0xa4: {  	s25 =	simm.s32 $0x1B8E;
	s24 =	sld [smem:$0x3FFE];
	[sflag:s23] =	ssyncadd.s32 $0xFFFFFFFF  }
0xa5: {  	s26 =	simm.s32 $execute0_lowered;
	[smem:$0x3FD2] =	sst s25  }
0xa6: {  	s4 =	sshll.u32 s26, $0x1;
	_ =	strace $0x80000046;
	[dreg:$0x1] =	wrdreg $0xFFFFFFFF  }
0xa7: {  	s28 =	simm.s32 $_size_execute0_lowered;
	s2 =	sadd.s32 s2, s4;
	[dreg:$0x0] =	wrdreg $0x0  }
0xa8: {  	s4 =	sshll.u32 s28, $0x1;
	[dreg:$0x2] =	wrdreg s2  }
0xa9: {  	[dreg:$0x3] =	wrdreg s4  }
0xaa: {  	[dreg:$0x4] =	wrdreg $0xC0  }
0xab: {  	_ =	task [dreg:s6], $0x5FFFF  }
0xac: {  	[dreg:$0x1] =	wrdreg $0xFFFFFFFF  }
0xad: {  	[dreg:$0x0] =	wrdreg $0x60  }
0xae: {  	[dreg:$0x2] =	wrdreg s24  }
0xaf: {  	[dreg:$0x3] =	wrdreg $0x9  }
0xb0: {  	_ =	task.clear_ibuf [dreg:s6], $0x4FFFF;
	_ =	strace $0x90000046  }
0xb1: {  	s29 =	simm.s32 $0x9;
	_ =	strace $0x80000048  }
0xb2: {  	_ =	swait.ge [sflag:s29], $0x1  }
0xb3: {  	[sflag:s29] =	ssyncadd.s32 $0xFFFFFFFF  }
0xb4: {  	_ =	strace $0x90000048  }
0xb5: {  	_ =	sfence  }
0xb6: {  	s30 =	sld [smem:$0x0];
	_ =	sdelay $0x2  }
0xb7: {  	s31 =	sshll.u32 s1, $0xD;
	s1 =	sshrl.u32 s1, $0x2  }
0xb8: {  	s3 =	sand.u32 $0x4000, s31;
	s1 =	sadd.s32 s1, s30  }
0xb9: {  	s0 =	sor.u32 s3, s0;
	s1 =	sshll.u32 s1, $0x11  }
0xba: {  	s0 =	sor.u32 s1, s0  }
0xbb: {  	s0 =	sadd.s32 $0x8F2B, s0  }
0xbc: {  	[sflag:s0] =	ssyncadd.remote.s32 $0x1  }
0xbd: {  	_ =	sfence.sel $0xFFFF  }
0xbe: {  	[dreg:$0x0] =	wrdreg $0xFFFFFFFF;
	(pc) =	sbr.abs _section_cstart, $3  }
0xbf: {  	[dreg:$0x1] =	wrdreg $0xFFFFFFFF  }
0xc0: {  	_ =	task.clear_ibuf [dreg:s6], $0x2FFFF;
	_ =	strace $0x9FFFFFFF  }
0xc1: {  	(tm) =	ssettm $0x7FFFFFFF  }
tec
execute0_lowered:
.L_overlay_start_1:
0x0: {  	(tag) =	ssettag $0x1  }
0x1: {  	s3 =	rddreg [dreg:$0x0]  }
0x2: {  	s0 =	rddreg [dreg:$0x1];
	s2 =	simm.s32 $0x0;
	s4 =	srdreg.scid  }
0x3: {  	s1 =	stileid.u32;
	s8 =	simm.s32 $0x8000;
	s9 =	simm.s32 $0x10000  }
0x4: {  	[smem:$0x7FF] =	sst s2;
	s4 =	sand.u32 $0x1, s4;
	s5 =	sshll.u32 s1, $0x1  }
0x5: {  	s10 =	simm.s32 $0x0;
	_ =	strace $0x80000047;
	s5 =	sor.u32 s4, s5  }
0x6: {  	s4 =	ssub.s32 $0x2, s4;
	s6 =	sshll.u32 s5, $0xC;
	s5 =	sshll.u32 s5, $0x4  }
0x7: {  	s31 =	sshrl.u32 s4, $0x1;
	s6 =	sadd.s32 s6, s3;
	s5 =	sadd.s32 s5, s3  }
0x8: {  	s7 =	ssub.s32 s4, s31;
	s3 =	sadd.s32 $0x600, s6;
	s4 =	sadd.s32 $0x20600, s6  }
0x9: {  	v0 =	vimm.f32 $0.0e+00;
	s5 =	sadd.s32 $0x40600, s5;
	s6 =	smax.u32 s7, $0x1;
	s7 =	simm.s32 $0x1  }
.LBB2_1:
0xa: {  	[tilespmem:s2], [sflag:$0x1] =	stream.linear.gather [hbm4b:s3+s2], $0x8000, $0x38;
	[tilespmem:$0x10080] =	vst v63  }
0xb: {  	_ =	swait.ge [sflag:s7], $0x8000  }
0xc: {  	[sflag:s7] =	ssyncset.done $0x0  }
0xd: {  	[sflag:s7] =	ssyncadd.s32 $0xFFFF8000  }
0xe: {  	[tilespmem:s8], [sflag:$0x1] =	stream.linear.gather [hbm4b:s4+s2], $0x8000, $0x38;
	[tilespmem:$0x10080] =	vst v63  }
0xf: {  	_ =	swait.ge [sflag:s7], $0x8000  }
0x10: {  	[sflag:s7] =	ssyncset.done $0x0  }
0x11: {  	s12 =	simm.s32 $0x40;
	[sflag:s7] =	ssyncadd.s32 $0xFFFF8000  }
0x12: {  	v1 =	vld [tilespmem:s12+$0xFFFFFFC0]  }
0x13: {  	v2 =	vld [tilespmem:s12+$0xFFFFFFD0]  }
0x14: {  	s11 =	simm.s32 $0x8040;
	v3 =	vld [tilespmem:s12+$0xFFFFFFE0]  }
0x15: {  	v4 =	vld [tilespmem:s11+$0xFFFFFFC0]  }
0x16: {  	v7 =	vld [tilespmem:s12+$0xFFFFFFF0]  }
0x17: {  	v5 =	vld [tilespmem:s11+$0xFFFFFFD0]  }
0x18: {  	v9 =	vld [tilespmem:s12+$0x0]  }
0x19: {  	vm0 =	veq.s32 v1, $0x2;
	v1 =	vld [tilespmem:s11+$0xFFFFFFE0]  }
0x1a: {  	v15 =	vld [tilespmem:s12+$0x10];
	v11 =	vsel vm0, $0x3F800000, v0;
	vm0 =	veq.s32 v2, $0x2  }
0x1b: {  	v16 =	vld [tilespmem:s11+$0xFFFFFFF0];
	v4 =	vsub.f32 v4, v11;
	v2 =	vsel vm0, $0x3F800000, v0  }
0x1c: {  	v8 =	vld [tilespmem:s11+$0x0];
	vm0 =	veq.s32 v3, $0x2;
	v3 =	vsub.f32 v5, v2  }
0x1d: {  	v5 =	vld [tilespmem:s12+$0x20];
	v6 =	vsel vm0, $0x3F800000, v0;
	vm0 =	veq.s32 v7, $0x2;
	v7 =	vmul.f32 v4, v4  }
0x1e: {  	v12 =	vadd.f32 v11, v0;
	v4 =	vld [tilespmem:s12+$0x30];
	v10 =	vsub.f32 v1, v6;
	v1 =	vsel vm0, $0x3F800000, v0  }
0x1f: {  	vm0 =	veq.s32 v9, $0x2;
	v14 =	vmul.f32 v3, v3;
	v9 =	vld [tilespmem:s11+$0x10];
	v13 =	vadd.f32 v7, v0  }
0x20: {  	s13 =	simm.s32 $0xC0;
	s12 =	simm.s32 $0x0;
	v11 =	vsub.f32 v16, v1;
	v3 =	vsel vm0, $0x3F800000, v0;
	vm0 =	veq.s32 v15, $0x2;
	v7 =	vld [tilespmem:s11+$0x20]  }
.LBB2_2:
0x21: {  	v15 =	vld [tilespmem:s13+$0xFFFFFFC0];
	v2 =	vadd.f32 v2, v12;
	v12 =	vadd.f32 v14, v13;
	v10 =	vmul.f32 v10, v10  }
0x22: {  	v13 =	vsel vm0, $0x3F800000, v0;
	vm0 =	veq.s32 v5, $0x2;
	v8 =	vsub.f32 v8, v3;
	v5 =	vld [tilespmem:s11+$0x30]  }
0x23: {  	v14 =	vld [tilespmem:s13+$0xFFFFFFD0];
	v2 =	vadd.f32 v6, v2;
	v6 =	vadd.f32 v10, v12;
	v10 =	vmul.f32 v11, v11  }
0x24: {  	s12 =	sadd.s32 $0x8, s12;
	s11 =	sadd.s32 $0x80, s11;
	v12 =	vsel vm0, $0x3F800000, v0;
	vm0 =	veq.s32 v4, $0x2;
	v11 =	vld [tilespmem:s13+$0xFFFFFFE0];
	v9 =	vsub.f32 v9, v13  }
0x25: {  	p0 =	slt.u32 s12, $0x7F8;
	v4 =	vld [tilespmem:s11+$0xFFFFFFC0];
	v1 =	vadd.f32 v1, v2;
	v2 =	vadd.f32 v10, v6;
	v6 =	vmul.f32 v8, v8  }
0x26: {  	v7 =	vsub.f32 v7, v12;
	v10 =	vsel vm0, $0x3F800000, v0;
	vm1 =	veq.s32 v15, $0x2;
	v8 =	vld [tilespmem:s13+$0xFFFFFFF0]  }
0x27: {  	v15 =	vld [tilespmem:s11+$0xFFFFFFD0];
	v1 =	vadd.f32 v3, v1;
	v2 =	vadd.f32 v6, v2;
	v3 =	vmul.f32 v9, v9  }
0x28: {  	v9 =	vsel vm1, $0x3F800000, v0;
	v5 =	vsub.f32 v5, v10;
	vm0 =	veq.s32 v14, $0x2;
	v14 =	vld [tilespmem:s13+$0x0]  }
0x29: {  	v6 =	vmul.f32 v7, v7;
	v16 =	vld [tilespmem:s11+$0xFFFFFFE0];
	v1 =	vadd.f32 v13, v1;
	v3 =	vadd.f32 v3, v2  }
0x2a: {  	v2 =	vsel vm0, $0x3F800000, v0;
	vm0 =	veq.s32 v11, $0x2;
	v4 =	vsub.f32 v4, v9;
	v7 =	vld [tilespmem:s13+$0x10]  }
0x2b: {  	v11 =	vld [tilespmem:s11+$0xFFFFFFF0];
	v1 =	vadd.f32 v12, v1;
	v3 =	vadd.f32 v6, v3;
	v12 =	vmul.f32 v5, v5  }
.Ltmp0:
0x2c: {  	v6 =	vsel vm0, $0x3F800000, v0;
	vm0 =	veq.s32 v8, $0x2;
	v15 =	vsub.f32 v15, v2;
	v5 =	vld [tilespmem:s13+$0x20];
	(pc) =	sbr.rel @p0 .LBB2_2-.Ltmp0, $4  }
0x2d: {  	v13 =	vmul.f32 v4, v4;
	v8 =	vld [tilespmem:s11+$0x0];
	v17 =	vadd.f32 v10, v1;
	v3 =	vadd.f32 v12, v3  }
0x2e: {  	v1 =	vsel vm0, $0x3F800000, v0;
	vm0 =	veq.s32 v14, $0x2;
	v10 =	vsub.f32 v16, v6;
	v4 =	vld [tilespmem:s13+$0x30]  }
0x2f: {  	v14 =	vmul.f32 v15, v15;
	v12 =	vadd.f32 v9, v17;
	v13 =	vadd.f32 v13, v3;
	v9 =	vld [tilespmem:s11+$0x10]  }
0x30: {  	s13 =	sadd.s32 $0x80, s13;
	v3 =	vsel vm0, $0x3F800000, v0;
	vm0 =	veq.s32 v7, $0x2;
	v11 =	vsub.f32 v11, v1;
	v7 =	vld [tilespmem:s11+$0x20]  }
0x31: {  	v2 =	vadd.f32 v2, v12  }
0x32: {  	v55 =	vadd.f32 v14, v13;
	v10 =	vmul.f32 v10, v10  }
0x33: {  	v2 =	vadd.f32 v6, v2  }
0x34: {  	v56 =	vsub.f32 v8, v3;
	v58 =	vmul.f32 v11, v11;
	v57 =	vadd.f32 v10, v55  }
0x35: {  	v59 =	vsel vm0, $0x3F800000, v0;
	vm14 =	veq.s32 v5, $0x2;
	v60 =	vld [tilespmem:s11+$0x30];
	v1 =	vadd.f32 v1, v2  }
0x36: {  	v6 =	vmul.f32 v56, v56;
	v2 =	vsub.f32 v9, v59;
	v8 =	vadd.f32 v58, v57  }
0x37: {  	v61 =	vsel vm14, $0x3F800000, v0;
	vm15 =	veq.s32 v4, $0x2;
	v1 =	vadd.f32 v3, v1  }
0x38: {  	v3 =	vsub.f32 v7, v61;
	v62 =	vadd.f32 v6, v8;
	v2 =	vmul.f32 v2, v2  }
0x39: {  	v63 =	vsel vm15, $0x3F800000, v0;
	v1 =	vadd.f32 v59, v1  }
0x3a: {  	v5 =	vsub.f32 v60, v63;
	v2 =	vadd.f32 v2, v62;
	v3 =	vmul.f32 v3, v3  }
0x3b: {  	v1 =	vadd.f32 v61, v1  }
0x3c: {  	v2 =	vadd.f32 v3, v2;
	v3 =	vmul.f32 v5, v5  }
0x3d: {  	v1 =	vadd.f32 v63, v1  }
0x3e: {  	s10 =	sadd.s32 $0x1, s10;
	v2 =	vadd.f32 v3, v2  }
0x3f: {  	p0 =	sne.s32 s10, s6;
	[tilespmem:$0x10000] =	vst v1  }
.Ltmp1:
0x40: {  	[tilespmem:$0x10010] =	vst v2;
	(pc) =	sbr.rel @p0 .LBB2_1-.Ltmp1, $4  }
0x41: {  	[hbm4b:s5+s2] =	stream.linear.scatter [tilespmem:s9], [sflag:$0x1], $0x80, $0x38;
	[tilespmem:$0x10080] =	vst v63  }
0x42: {  	_ =	swait.ge [sflag:s7], $0x80  }
0x43: {  	[sflag:s7] =	ssyncset.done $0x0  }
0x44: {  	[sflag:s7] =	ssyncadd.s32 $0xFFFFFF80  }
0x45: {  	_ =	sfence.sel $0x180000  }
0x46: {  	[bflag:$0x0] =	sbarrier.arrive $0xFFFF  }
0x47: {  	p0 =	sne.s32 s1, $0x0;
	_ =	strace $0x90000047  }
0x48: {  	s0 =	sadd.s32 @!p0 $0x100000, s0;
	[bflag:$0x2] =	sbarrier.arrive $0xFFFF  }
0x49: {  	[sflag:s0] =	ssyncadd.tile.s32 @!p0 $0x1;
	_ =	shalt  }
.Lfunc_end2:
_tile_overlayer_lowered:
.L_overlay_start_2:
0x4a: {  	(tag) =	ssettag $0x2  }
0x4b: {  	s0 =	rddreg [dreg:$0x0];
	s2 =	stileid.u32  }
0x4c: {  	s1 =	rddreg [dreg:$0x1];
	p0 =	sne.s32 s2, $0x0  }
0x4d: {  	s3 =	rddreg [dreg:$0x2];
	[bflag:$0x3] =	sbarrier.arrive $0xFFFF;
	s2 =	simm.s32 @!p0 $0x1C01  }
0x4e: {  	[timem:s3], [sflag:s2] =	dma.local @!p0 [hbm:s0], s1  }
0x4f: {  	s0 =	simm.s32 @!p0 $0x1  }
0x50: {  	_ =	swait.ge @!p0 [sflag:s0], s1  }
0x51: {  	s1 =	ssub.s32 @!p0 $0x0, s1;
	[sflag:s0] =	ssyncset.done @!p0 $0x0  }
0x52: {  	[sflag:s0] =	ssyncadd.s32 @!p0 s1  }
0x53: {  	[bflag:$0x3] =	sbarrier.arrive $0xFFFF  }
0x54: {  	_ =	shalt  }

</sc_bundles>
